<compile_context>
chip_gen: v7x
topology: tpu7x:2x2x1
jax: 0.10.2.dev20260603
libtpu: 0.0.44.dev20260713+nightly
codegen_flags: <defaults>
</compile_context>

<pallas_src>
import functools

import jax
import jax.numpy as jnp
from jax import lax
from jax.experimental import pallas as pl
from jax.experimental.pallas import tpu as pltpu
from jax.experimental.pallas import tpu_sc as plsc

B = 1024
L_CTX = 20
V = 100000
D = 32
H = 1024
N_IDX = B * L_CTX
NW = 32
B_PER_W = N_IDX // NW
CHUNK = 128
N_CHUNK = B_PER_W // CHUNK

VT = 1024
N_VT = (V + VT - 1) // VT


def _gather_body(idx_hbm, table_hbm, out_hbm, idx_v, rows_v, sem):
    wid = lax.axis_index("s") * 2 + lax.axis_index("c")
    pltpu.sync_copy(idx_hbm.at[wid], idx_v)
    copies = []
    for j in range(N_CHUNK):
        copies.append(
            pltpu.async_copy(
                table_hbm.at[idx_v.at[j]],
                rows_v.at[pl.ds(j * CHUNK, CHUNK)],
                sem,
            )
        )
    for c in copies:
        c.wait()
    pltpu.sync_copy(rows_v, out_hbm.at[pl.ds(wid * B_PER_W, B_PER_W)])


@functools.cache
def _sc_gather():
    return pl.kernel(
        _gather_body,
        out_type=jax.ShapeDtypeStruct((N_IDX, D), jnp.float32),
        mesh=plsc.VectorSubcoreMesh(core_axis_name="c", subcore_axis_name="s"),
        scratch_types=[
            pltpu.VMEM((N_CHUNK, CHUNK), jnp.int32),
            pltpu.VMEM((B_PER_W, D), jnp.float32),
            pltpu.SemaphoreType.DMA,
        ],
        compiler_params=pltpu.CompilerParams(use_tc_tiling_on_sc=False),
    )


def _mlp_body(hg_ref, w1_ref, b1_ref, w2_ref, b2_ref, out_ref, h1_ref):
    @pl.when(pl.program_id(0) == 0)
    def _():
        h1 = jnp.dot(hg_ref[...], w1_ref[...], preferred_element_type=jnp.float32)
        h1 = jnp.maximum(h1 + b1_ref[...], 0.0)
        h1_ref[...] = h1.astype(jnp.bfloat16)

    w2 = w2_ref[...].astype(jnp.bfloat16)
    acc = jnp.dot(h1_ref[...], w2, preferred_element_type=jnp.float32)
    out_ref[...] = acc + b2_ref[...]


_mlp = pl.pallas_call(
    _mlp_body,
    grid=(N_VT,),
    in_specs=[
        pl.BlockSpec((B, L_CTX * D), lambda j: (0, 0)),
        pl.BlockSpec((L_CTX * D, H), lambda j: (0, 0)),
        pl.BlockSpec((1, H), lambda j: (0, 0)),
        pl.BlockSpec((H, VT), lambda j: (0, j)),
        pl.BlockSpec((1, VT), lambda j: (0, j)),
    ],
    out_specs=pl.BlockSpec((B, VT), lambda j: (0, j)),
    out_shape=jax.ShapeDtypeStruct((B, V), jnp.float32),
    scratch_shapes=[pltpu.VMEM((B, H), jnp.bfloat16)],
    compiler_params=pltpu.CompilerParams(
        dimension_semantics=("arbitrary",),
    ),
)


@jax.jit
def kernel(x, emb, W1, b1, W2, b2):
    idx = x.reshape(NW, N_CHUNK, CHUNK).astype(jnp.int32)
    rows = _sc_gather()(idx, emb)
    hg = rows.reshape(B, L_CTX * D)
    return _mlp(hg, W1, b1.reshape(1, H), W2, b2.reshape(1, V))

# --- scband reference (transcript-rebuilt; emitter-appended) ---
"""Pipeline reference for scband-next-word-83915071029766 (READ-ONLY COPY).

The authoritative reference and input builder live on the scoring server;
editing this copy changes nothing except your own understanding.
"""

import jax, jax.numpy as jnp
import numpy as np

BATCH = 1024
BLOCK_SIZE = 20
VOCAB = 100000
EMB_DIM = 32
HIDDEN = 1024


def setup_inputs(seed: int = 0) -> dict:
    key = jax.random.key(seed)
    k1, k2, k3, k4 = jax.random.split(key, 4)
    x = jax.random.randint(k1, (BATCH, BLOCK_SIZE), 0, VOCAB, dtype=jnp.int64 if jax.config.jax_enable_x64 else jnp.int32)
    emb = jax.random.normal(k2, (VOCAB, EMB_DIM), dtype=jnp.float32) * 0.02
    W1 = jax.random.normal(k3, (BLOCK_SIZE * EMB_DIM, HIDDEN), dtype=jnp.float32) * 0.02
    b1 = jnp.zeros((HIDDEN,), dtype=jnp.float32)
    W2 = jax.random.normal(k4, (HIDDEN, VOCAB), dtype=jnp.float32) * 0.02
    b2 = jnp.zeros((VOCAB,), dtype=jnp.float32)
    return {"x": x, "emb": emb, "W1": W1, "b1": b1, "W2": W2, "b2": b2}


def reference(x, emb, W1, b1, W2, b2):
    # embedding lookup (gather): [B, L] -> [B, L, D]
    h = jnp.take(emb, x, axis=0)
    # flatten context window: [B, L*D]
    h = h.reshape(h.shape[0], -1)
    # lin1 + ReLU
    h = jnp.maximum(jnp.dot(h, W1) + b1, 0.0)
    # lin2 -> vocab logits
    out = jnp.dot(h, W2) + b2
    return out

if __name__ == "__main__":
    import jax
    _d = setup_inputs()
    print(jax.jit(kernel)(*tuple(_d.values())))

</pallas_src>

<mosaic_0001>
#map = affine_map<(d0, d1) -> (0, 0, 0)>
#map1 = affine_map<(d0, d1) -> (0, 0)>
module attributes {stable_mosaic.version = 14 : i64} {
  func.func @_gather_body(%arg0: i32, %arg1: i32, %arg2: memref<32x5x128xi32, #tpu.memory_space<hbm>>, %arg3: memref<100000x32xf32, #tpu.memory_space<hbm>>, %arg4: memref<20480x32xf32, #tpu.memory_space<hbm>>, %arg5: memref<5x128xi32, #tpu.memory_space<vmem>>, %arg6: memref<640x32xf32, #tpu.memory_space<vmem>>, %arg7: memref<!tpu.dma_semaphore, #tpu.memory_space<semaphore_mem>>) attributes {dimension_semantics = [#tpu.dimension_semantics<core_parallel>, #tpu.dimension_semantics<subcore_parallel>], iteration_bounds = array<i64: 2, 16>, scalar_prefetch = 0 : i64, scratch_operands = 3 : i64, tpu.core_type = #tpu.core_type<sc_vector_subcore>, window_params = [{transform_indices = #map}, {transform_indices = #map1}, {transform_indices = #map1}]} {
    %mul3A = arith.constant 2 : i32
    %mul3A_0 = arith.muli %arg1, %mul3A : i32
    %add3A = arith.addi %mul3A_0, %arg0 : i32
    "tpu.region"() ({
      %run_scoped3A = tpu.sem_alloc : memref<!tpu.dma_semaphore, #tpu.memory_space<semaphore_mem>>
      %dma_start3A_101 = arith.constant 0 : i32
      %dma_start3A_102 = arith.constant 0 : i32
      %dma_start3A_103 = tpu.memref_slice %arg2[%add3A, %dma_start3A_101, %dma_start3A_102] : memref<32x5x128xi32, #tpu.memory_space<hbm>> -> memref<1x5x128xi32, #tpu.memory_space<hbm>>
      %dma_start3A_104 = tpu.memref_squeeze %dma_start3A_103 : memref<1x5x128xi32, #tpu.memory_space<hbm>> -> memref<5x128xi32, #tpu.memory_space<hbm>>
      %dma_start3A_105 = arith.constant 0 : i32
      %dma_start3A_106 = arith.constant 0 : i32
      %dma_start3A_107 = tpu.memref_slice %arg2[%add3A, %dma_start3A_105, %dma_start3A_106] : memref<32x5x128xi32, #tpu.memory_space<hbm>> -> memref<1x5x128xi32, #tpu.memory_space<hbm>>
      %dma_start3A_108 = tpu.memref_squeeze %dma_start3A_107 : memref<1x5x128xi32, #tpu.memory_space<hbm>> -> memref<5x128xi32, #tpu.memory_space<hbm>>
      tpu.enqueue_dma source(%dma_start3A_108 : memref<5x128xi32, #tpu.memory_space<hbm>>) target(%arg5 : memref<5x128xi32, #tpu.memory_space<vmem>>) target_semaphore(%run_scoped3A : memref<!tpu.dma_semaphore, #tpu.memory_space<semaphore_mem>>)
      %dma_wait3A_109 = arith.constant 0 : i32
      %dma_wait3A_110 = arith.constant 0 : i32
      %dma_wait3A_111 = tpu.memref_slice %arg2[%add3A, %dma_wait3A_109, %dma_wait3A_110] : memref<32x5x128xi32, #tpu.memory_space<hbm>> -> memref<1x5x128xi32, #tpu.memory_space<hbm>>
      %dma_wait3A_112 = tpu.memref_squeeze %dma_wait3A_111 : memref<1x5x128xi32, #tpu.memory_space<hbm>> -> memref<5x128xi32, #tpu.memory_space<hbm>>
      %dma_wait3A_113 = arith.constant 0 : i32
      %dma_wait3A_114 = arith.constant 0 : i32
      %dma_wait3A_115 = tpu.memref_slice %arg2[%add3A, %dma_wait3A_113, %dma_wait3A_114] : memref<32x5x128xi32, #tpu.memory_space<hbm>> -> memref<1x5x128xi32, #tpu.memory_space<hbm>>
      %dma_wait3A_116 = tpu.memref_squeeze %dma_wait3A_115 : memref<1x5x128xi32, #tpu.memory_space<hbm>> -> memref<5x128xi32, #tpu.memory_space<hbm>>
      tpu.wait_dma2 semaphore(%run_scoped3A : memref<!tpu.dma_semaphore, #tpu.memory_space<semaphore_mem>>) src(%dma_wait3A_116 : memref<5x128xi32, #tpu.memory_space<hbm>>) dst(%arg5 : memref<5x128xi32, #tpu.memory_space<vmem>>)
      tpu.yield
    }) : () -> ()
    %dma_start3A = arith.constant 0 : i32
    %dma_start3A_1 = arith.constant 0 : i32
    %dma_start3A_2 = arith.constant 0 : i32
    %dma_start3A_3 = tpu.memref_slice %arg6[%dma_start3A_1, %dma_start3A_2] : memref<640x32xf32, #tpu.memory_space<vmem>> -> memref<128x32xf32, #tpu.memory_space<vmem>>
    %dma_start3A_4 = arith.constant 0 : i32
    %dma_start3A_5 = tpu.memref_slice %arg5[%dma_start3A, %dma_start3A_4] : memref<5x128xi32, #tpu.memory_space<vmem>> -> memref<1x128xi32, #tpu.memory_space<vmem>>
    %dma_start3A_6 = tpu.memref_squeeze %dma_start3A_5 : memref<1x128xi32, #tpu.memory_space<vmem>> -> memref<128xi32, #tpu.memory_space<vmem>>
    %dma_start3A_7 = arith.constant 0 : i32
    %dma_start3A_8 = arith.constant 0 : i32
    %dma_start3A_9 = tpu.memref_slice %arg3[%dma_start3A_7, %dma_start3A_8] : memref<100000x32xf32, #tpu.memory_space<hbm>> -> memref<100000x32xf32, #tpu.memory_space<hbm>>
    tpu.enqueue_indirect_dma source(%dma_start3A_9 : memref<100000x32xf32, #tpu.memory_space<hbm>>) target(%dma_start3A_3 : memref<128x32xf32, #tpu.memory_space<vmem>>) offsets(%dma_start3A_6 : memref<128xi32, #tpu.memory_space<vmem>>) semaphore(%arg7 : memref<!tpu.dma_semaphore, #tpu.memory_space<semaphore_mem>>)
    %dma_start3A_10 = arith.constant 1 : i32
    %dma_start3A_11 = arith.constant 128 : i32
    %dma_start3A_12 = arith.constant 0 : i32
    %dma_start3A_13 = tpu.memref_slice %arg6[%dma_start3A_11, %dma_start3A_12] : memref<640x32xf32, #tpu.memory_space<vmem>> -> memref<128x32xf32, #tpu.memory_space<vmem>>
    %dma_start3A_14 = arith.constant 0 : i32
    %dma_start3A_15 = tpu.memref_slice %arg5[%dma_start3A_10, %dma_start3A_14] : memref<5x128xi32, #tpu.memory_space<vmem>> -> memref<1x128xi32, #tpu.memory_space<vmem>>
    %dma_start3A_16 = tpu.memref_squeeze %dma_start3A_15 : memref<1x128xi32, #tpu.memory_space<vmem>> -> memref<128xi32, #tpu.memory_space<vmem>>
    %dma_start3A_17 = arith.constant 0 : i32
    %dma_start3A_18 = arith.constant 0 : i32
    %dma_start3A_19 = tpu.memref_slice %arg3[%dma_start3A_17, %dma_start3A_18] : memref<100000x32xf32, #tpu.memory_space<hbm>> -> memref<100000x32xf32, #tpu.memory_space<hbm>>
    tpu.enqueue_indirect_dma source(%dma_start3A_19 : memref<100000x32xf32, #tpu.memory_space<hbm>>) target(%dma_start3A_13 : memref<128x32xf32, #tpu.memory_space<vmem>>) offsets(%dma_start3A_16 : memref<128xi32, #tpu.memory_space<vmem>>) semaphore(%arg7 : memref<!tpu.dma_semaphore, #tpu.memory_space<semaphore_mem>>)
    %dma_start3A_20 = arith.constant 2 : i32
    %dma_start3A_21 = arith.constant 256 : i32
    %dma_start3A_22 = arith.constant 0 : i32
    %dma_start3A_23 = tpu.memref_slice %arg6[%dma_start3A_21, %dma_start3A_22] : memref<640x32xf32, #tpu.memory_space<vmem>> -> memref<128x32xf32, #tpu.memory_space<vmem>>
    %dma_start3A_24 = arith.constant 0 : i32
    %dma_start3A_25 = tpu.memref_slice %arg5[%dma_start3A_20, %dma_start3A_24] : memref<5x128xi32, #tpu.memory_space<vmem>> -> memref<1x128xi32, #tpu.memory_space<vmem>>
    %dma_start3A_26 = tpu.memref_squeeze %dma_start3A_25 : memref<1x128xi32, #tpu.memory_space<vmem>> -> memref<128xi32, #tpu.memory_space<vmem>>
    %dma_start3A_27 = arith.constant 0 : i32
    %dma_start3A_28 = arith.constant 0 : i32
    %dma_start3A_29 = tpu.memref_slice %arg3[%dma_start3A_27, %dma_start3A_28] : memref<100000x32xf32, #tpu.memory_space<hbm>> -> memref<100000x32xf32, #tpu.memory_space<hbm>>
    tpu.enqueue_indirect_dma source(%dma_start3A_29 : memref<100000x32xf32, #tpu.memory_space<hbm>>) target(%dma_start3A_23 : memref<128x32xf32, #tpu.memory_space<vmem>>) offsets(%dma_start3A_26 : memref<128xi32, #tpu.memory_space<vmem>>) semaphore(%arg7 : memref<!tpu.dma_semaphore, #tpu.memory_space<semaphore_mem>>)
    %dma_start3A_30 = arith.constant 3 : i32
    %dma_start3A_31 = arith.constant 384 : i32
    %dma_start3A_32 = arith.constant 0 : i32
    %dma_start3A_33 = tpu.memref_slice %arg6[%dma_start3A_31, %dma_start3A_32] : memref<640x32xf32, #tpu.memory_space<vmem>> -> memref<128x32xf32, #tpu.memory_space<vmem>>
    %dma_start3A_34 = arith.constant 0 : i32
    %dma_start3A_35 = tpu.memref_slice %arg5[%dma_start3A_30, %dma_start3A_34] : memref<5x128xi32, #tpu.memory_space<vmem>> -> memref<1x128xi32, #tpu.memory_space<vmem>>
    %dma_start3A_36 = tpu.memref_squeeze %dma_start3A_35 : memref<1x128xi32, #tpu.memory_space<vmem>> -> memref<128xi32, #tpu.memory_space<vmem>>
    %dma_start3A_37 = arith.constant 0 : i32
    %dma_start3A_38 = arith.constant 0 : i32
    %dma_start3A_39 = tpu.memref_slice %arg3[%dma_start3A_37, %dma_start3A_38] : memref<100000x32xf32, #tpu.memory_space<hbm>> -> memref<100000x32xf32, #tpu.memory_space<hbm>>
    tpu.enqueue_indirect_dma source(%dma_start3A_39 : memref<100000x32xf32, #tpu.memory_space<hbm>>) target(%dma_start3A_33 : memref<128x32xf32, #tpu.memory_space<vmem>>) offsets(%dma_start3A_36 : memref<128xi32, #tpu.memory_space<vmem>>) semaphore(%arg7 : memref<!tpu.dma_semaphore, #tpu.memory_space<semaphore_mem>>)
    %dma_start3A_40 = arith.constant 4 : i32
    %dma_start3A_41 = arith.constant 512 : i32
    %dma_start3A_42 = arith.constant 0 : i32
    %dma_start3A_43 = tpu.memref_slice %arg6[%dma_start3A_41, %dma_start3A_42] : memref<640x32xf32, #tpu.memory_space<vmem>> -> memref<128x32xf32, #tpu.memory_space<vmem>>
    %dma_start3A_44 = arith.constant 0 : i32
    %dma_start3A_45 = tpu.memref_slice %arg5[%dma_start3A_40, %dma_start3A_44] : memref<5x128xi32, #tpu.memory_space<vmem>> -> memref<1x128xi32, #tpu.memory_space<vmem>>
    %dma_start3A_46 = tpu.memref_squeeze %dma_start3A_45 : memref<1x128xi32, #tpu.memory_space<vmem>> -> memref<128xi32, #tpu.memory_space<vmem>>
    %dma_start3A_47 = arith.constant 0 : i32
    %dma_start3A_48 = arith.constant 0 : i32
    %dma_start3A_49 = tpu.memref_slice %arg3[%dma_start3A_47, %dma_start3A_48] : memref<100000x32xf32, #tpu.memory_space<hbm>> -> memref<100000x32xf32, #tpu.memory_space<hbm>>
    tpu.enqueue_indirect_dma source(%dma_start3A_49 : memref<100000x32xf32, #tpu.memory_space<hbm>>) target(%dma_start3A_43 : memref<128x32xf32, #tpu.memory_space<vmem>>) offsets(%dma_start3A_46 : memref<128xi32, #tpu.memory_space<vmem>>) semaphore(%arg7 : memref<!tpu.dma_semaphore, #tpu.memory_space<semaphore_mem>>)
    %dma_wait3A = arith.constant 0 : i32
    %dma_wait3A_50 = arith.constant 0 : i32
    %dma_wait3A_51 = arith.constant 0 : i32
    %dma_wait3A_52 = tpu.memref_slice %arg6[%dma_wait3A_50, %dma_wait3A_51] : memref<640x32xf32, #tpu.memory_space<vmem>> -> memref<128x32xf32, #tpu.memory_space<vmem>>
    %dma_wait3A_53 = arith.constant 0 : i32
    %dma_wait3A_54 = tpu.memref_slice %arg5[%dma_wait3A, %dma_wait3A_53] : memref<5x128xi32, #tpu.memory_space<vmem>> -> memref<1x128xi32, #tpu.memory_space<vmem>>
    %dma_wait3A_55 = tpu.memref_squeeze %dma_wait3A_54 : memref<1x128xi32, #tpu.memory_space<vmem>> -> memref<128xi32, #tpu.memory_space<vmem>>
    %dma_wait3A_56 = arith.constant 0 : i32
    %dma_wait3A_57 = arith.constant 0 : i32
    %dma_wait3A_58 = tpu.memref_slice %arg3[%dma_wait3A_56, %dma_wait3A_57] : memref<100000x32xf32, #tpu.memory_space<hbm>> -> memref<100000x32xf32, #tpu.memory_space<hbm>>
    tpu.wait_indirect_dma semaphore(%arg7 : memref<!tpu.dma_semaphore, #tpu.memory_space<semaphore_mem>>) src(%dma_wait3A_58 : memref<100000x32xf32, #tpu.memory_space<hbm>>) dst(%dma_wait3A_52 : memref<128x32xf32, #tpu.memory_space<vmem>>)
    %dma_wait3A_59 = arith.constant 1 : i32
    %dma_wait3A_60 = arith.constant 128 : i32
    %dma_wait3A_61 = arith.constant 0 : i32
    %dma_wait3A_62 = tpu.memref_slice %arg6[%dma_wait3A_60, %dma_wait3A_61] : memref<640x32xf32, #tpu.memory_space<vmem>> -> memref<128x32xf32, #tpu.memory_space<vmem>>
    %dma_wait3A_63 = arith.constant 0 : i32
    %dma_wait3A_64 = tpu.memref_slice %arg5[%dma_wait3A_59, %dma_wait3A_63] : memref<5x128xi32, #tpu.memory_space<vmem>> -> memref<1x128xi32, #tpu.memory_space<vmem>>
    %dma_wait3A_65 = tpu.memref_squeeze %dma_wait3A_64 : memref<1x128xi32, #tpu.memory_space<vmem>> -> memref<128xi32, #tpu.memory_space<vmem>>
    %dma_wait3A_66 = arith.constant 0 : i32
    %dma_wait3A_67 = arith.constant 0 : i32
    %dma_wait3A_68 = tpu.memref_slice %arg3[%dma_wait3A_66, %dma_wait3A_67] : memref<100000x32xf32, #tpu.memory_space<hbm>> -> memref<100000x32xf32, #tpu.memory_space<hbm>>
    tpu.wait_indirect_dma semaphore(%arg7 : memref<!tpu.dma_semaphore, #tpu.memory_space<semaphore_mem>>) src(%dma_wait3A_68 : memref<100000x32xf32, #tpu.memory_space<hbm>>) dst(%dma_wait3A_62 : memref<128x32xf32, #tpu.memory_space<vmem>>)
    %dma_wait3A_69 = arith.constant 2 : i32
    %dma_wait3A_70 = arith.constant 256 : i32
    %dma_wait3A_71 = arith.constant 0 : i32
    %dma_wait3A_72 = tpu.memref_slice %arg6[%dma_wait3A_70, %dma_wait3A_71] : memref<640x32xf32, #tpu.memory_space<vmem>> -> memref<128x32xf32, #tpu.memory_space<vmem>>
    %dma_wait3A_73 = arith.constant 0 : i32
    %dma_wait3A_74 = tpu.memref_slice %arg5[%dma_wait3A_69, %dma_wait3A_73] : memref<5x128xi32, #tpu.memory_space<vmem>> -> memref<1x128xi32, #tpu.memory_space<vmem>>
    %dma_wait3A_75 = tpu.memref_squeeze %dma_wait3A_74 : memref<1x128xi32, #tpu.memory_space<vmem>> -> memref<128xi32, #tpu.memory_space<vmem>>
    %dma_wait3A_76 = arith.constant 0 : i32
    %dma_wait3A_77 = arith.constant 0 : i32
    %dma_wait3A_78 = tpu.memref_slice %arg3[%dma_wait3A_76, %dma_wait3A_77] : memref<100000x32xf32, #tpu.memory_space<hbm>> -> memref<100000x32xf32, #tpu.memory_space<hbm>>
    tpu.wait_indirect_dma semaphore(%arg7 : memref<!tpu.dma_semaphore, #tpu.memory_space<semaphore_mem>>) src(%dma_wait3A_78 : memref<100000x32xf32, #tpu.memory_space<hbm>>) dst(%dma_wait3A_72 : memref<128x32xf32, #tpu.memory_space<vmem>>)
    %dma_wait3A_79 = arith.constant 3 : i32
    %dma_wait3A_80 = arith.constant 384 : i32
    %dma_wait3A_81 = arith.constant 0 : i32
    %dma_wait3A_82 = tpu.memref_slice %arg6[%dma_wait3A_80, %dma_wait3A_81] : memref<640x32xf32, #tpu.memory_space<vmem>> -> memref<128x32xf32, #tpu.memory_space<vmem>>
    %dma_wait3A_83 = arith.constant 0 : i32
    %dma_wait3A_84 = tpu.memref_slice %arg5[%dma_wait3A_79, %dma_wait3A_83] : memref<5x128xi32, #tpu.memory_space<vmem>> -> memref<1x128xi32, #tpu.memory_space<vmem>>
    %dma_wait3A_85 = tpu.memref_squeeze %dma_wait3A_84 : memref<1x128xi32, #tpu.memory_space<vmem>> -> memref<128xi32, #tpu.memory_space<vmem>>
    %dma_wait3A_86 = arith.constant 0 : i32
    %dma_wait3A_87 = arith.constant 0 : i32
    %dma_wait3A_88 = tpu.memref_slice %arg3[%dma_wait3A_86, %dma_wait3A_87] : memref<100000x32xf32, #tpu.memory_space<hbm>> -> memref<100000x32xf32, #tpu.memory_space<hbm>>
    tpu.wait_indirect_dma semaphore(%arg7 : memref<!tpu.dma_semaphore, #tpu.memory_space<semaphore_mem>>) src(%dma_wait3A_88 : memref<100000x32xf32, #tpu.memory_space<hbm>>) dst(%dma_wait3A_82 : memref<128x32xf32, #tpu.memory_space<vmem>>)
    %dma_wait3A_89 = arith.constant 4 : i32
    %dma_wait3A_90 = arith.constant 512 : i32
    %dma_wait3A_91 = arith.constant 0 : i32
    %dma_wait3A_92 = tpu.memref_slice %arg6[%dma_wait3A_90, %dma_wait3A_91] : memref<640x32xf32, #tpu.memory_space<vmem>> -> memref<128x32xf32, #tpu.memory_space<vmem>>
    %dma_wait3A_93 = arith.constant 0 : i32
    %dma_wait3A_94 = tpu.memref_slice %arg5[%dma_wait3A_89, %dma_wait3A_93] : memref<5x128xi32, #tpu.memory_space<vmem>> -> memref<1x128xi32, #tpu.memory_space<vmem>>
    %dma_wait3A_95 = tpu.memref_squeeze %dma_wait3A_94 : memref<1x128xi32, #tpu.memory_space<vmem>> -> memref<128xi32, #tpu.memory_space<vmem>>
    %dma_wait3A_96 = arith.constant 0 : i32
    %dma_wait3A_97 = arith.constant 0 : i32
    %dma_wait3A_98 = tpu.memref_slice %arg3[%dma_wait3A_96, %dma_wait3A_97] : memref<100000x32xf32, #tpu.memory_space<hbm>> -> memref<100000x32xf32, #tpu.memory_space<hbm>>
    tpu.wait_indirect_dma semaphore(%arg7 : memref<!tpu.dma_semaphore, #tpu.memory_space<semaphore_mem>>) src(%dma_wait3A_98 : memref<100000x32xf32, #tpu.memory_space<hbm>>) dst(%dma_wait3A_92 : memref<128x32xf32, #tpu.memory_space<vmem>>)
    %mul3A_99 = arith.constant 640 : i32
    %mul3A_100 = arith.muli %add3A, %mul3A_99 : i32
    "tpu.region"() ({
      %run_scoped3A = tpu.sem_alloc : memref<!tpu.dma_semaphore, #tpu.memory_space<semaphore_mem>>
      %dma_start3A_101 = arith.constant 0 : i32
      %dma_start3A_102 = tpu.memref_slice %arg4[%mul3A_100, %dma_start3A_101] : memref<20480x32xf32, #tpu.memory_space<hbm>> -> memref<640x32xf32, #tpu.memory_space<hbm>>
      %dma_start3A_103 = arith.constant 0 : i32
      %dma_start3A_104 = tpu.memref_slice %arg4[%mul3A_100, %dma_start3A_103] : memref<20480x32xf32, #tpu.memory_space<hbm>> -> memref<640x32xf32, #tpu.memory_space<hbm>>
      tpu.enqueue_dma source(%arg6 : memref<640x32xf32, #tpu.memory_space<vmem>>) target(%dma_start3A_104 : memref<640x32xf32, #tpu.memory_space<hbm>>) target_semaphore(%run_scoped3A : memref<!tpu.dma_semaphore, #tpu.memory_space<semaphore_mem>>)
      %dma_wait3A_105 = arith.constant 0 : i32
      %dma_wait3A_106 = tpu.memref_slice %arg4[%mul3A_100, %dma_wait3A_105] : memref<20480x32xf32, #tpu.memory_space<hbm>> -> memref<640x32xf32, #tpu.memory_space<hbm>>
      %dma_wait3A_107 = arith.constant 0 : i32
      %dma_wait3A_108 = tpu.memref_slice %arg4[%mul3A_100, %dma_wait3A_107] : memref<20480x32xf32, #tpu.memory_space<hbm>> -> memref<640x32xf32, #tpu.memory_space<hbm>>
      tpu.wait_dma2 semaphore(%run_scoped3A : memref<!tpu.dma_semaphore, #tpu.memory_space<semaphore_mem>>) src(%arg6 : memref<640x32xf32, #tpu.memory_space<vmem>>) dst(%dma_wait3A_108 : memref<640x32xf32, #tpu.memory_space<hbm>>)
      tpu.yield
    }) : () -> ()
    return
  }
}

module attributes {stable_mosaic.version = 14 : i64} {
  func.func @_mlp_body(%arg0: i32, %arg1: memref<1024x640xf32, #tpu.memory_space<vmem>>, %arg2: memref<640x1024xf32, #tpu.memory_space<vmem>>, %arg3: memref<1x1024xf32, #tpu.memory_space<vmem>>, %arg4: memref<1024x1024xf32, #tpu.memory_space<vmem>>, %arg5: memref<1x1024xf32, #tpu.memory_space<vmem>>, %arg6: memref<1024x1024xf32, #tpu.memory_space<vmem>>, %arg7: memref<1024x1024xbf16, #tpu.memory_space<vmem>>) attributes {dimension_semantics = [#tpu.dimension_semantics<arbitrary>], iteration_bounds = array<i64: 98>, scalar_prefetch = 0 : i64, scratch_operands = 1 : i64, tpu.core_type = #tpu.core_type<tc>, window_params = [{pipeline_mode = #tpu.pipeline_mode<synchronous>, transform_indices = @transform_0, window_bounds = array<i64: 1024, 640>}, {pipeline_mode = #tpu.pipeline_mode<synchronous>, transform_indices = @transform_1, window_bounds = array<i64: 640, 1024>}, {pipeline_mode = #tpu.pipeline_mode<synchronous>, transform_indices = @transform_2, window_bounds = array<i64: 1, 1024>}, {transform_indices = @transform_3, window_bounds = array<i64: 1024, 1024>}, {transform_indices = @transform_4, window_bounds = array<i64: 1, 1024>}, {transform_indices = @transform_5, window_bounds = array<i64: 1024, 1024>}]} {
    %eq3A = arith.constant 0 : i32
    %eq3A_0 = arith.cmpi eq, %arg0, %eq3A : i32
    %convert_element_type3A = arith.extui %eq3A_0 : i1 to i32
    %cond3A = arith.constant 0 : i32
    %cond3A_1 = arith.cmpi ne, %convert_element_type3A, %cond3A : i32
    scf.if %cond3A_1 {
      %get3A_15 = arith.constant 0 : index
      %get3A_16 = arith.constant 0 : index
      %get3A_17 = vector.load %arg1[%get3A_15, %get3A_16] : memref<1024x640xf32, #tpu.memory_space<vmem>>, vector<1024x640xf32>
      %get3A_18 = arith.constant 0 : index
      %get3A_19 = arith.constant 0 : index
      %get3A_20 = vector.load %arg2[%get3A_18, %get3A_19] : memref<640x1024xf32, #tpu.memory_space<vmem>>, vector<640x1024xf32>
      %dot_general3A_21 = arith.constant dense<0.000000e+00> : vector<1024x1024xf32>
      %dot_general3A_22 = tpu.matmul %get3A_17, %get3A_20, %dot_general3A_21 {dimension_numbers = #tpu.dot_dimension_numbers<[1], [0], [0], [1], [0, 0, 1, 1], [], []>, transpose_lhs_hint = false} : vector<1024x640xf32>, vector<640x1024xf32>, vector<1024x1024xf32> -> vector<1024x1024xf32>
      %get3A_23 = arith.constant 0 : index
      %get3A_24 = arith.constant 0 : index
      %get3A_25 = vector.load %arg3[%get3A_23, %get3A_24] : memref<1x1024xf32, #tpu.memory_space<vmem>>, vector<1x1024xf32>
      %add3A_26 = vector.broadcast %get3A_25 : vector<1x1024xf32> to vector<1024x1024xf32>
      %add3A_27 = arith.addf %dot_general3A_22, %add3A_26 : vector<1024x1024xf32>
      %max3A = arith.constant 0.000000e+00 : f32
      %max3A_28 = vector.broadcast %max3A : f32 to vector<1024x1024xf32>
      %max3A_29 = arith.maximumf %add3A_27, %max3A_28 : vector<1024x1024xf32>
      %convert_element_type3A_30 = arith.truncf %max3A_29 : vector<1024x1024xf32> to vector<1024x1024xbf16>
      %swap3A_31 = arith.constant 0 : index
      %swap3A_32 = arith.constant 0 : index
      %swap3A_33 = vector.load %arg7[%swap3A_31, %swap3A_32] : memref<1024x1024xbf16, #tpu.memory_space<vmem>>, vector<1024x1024xbf16>
      tpu.vector_store %arg7[%swap3A_31, %swap3A_32], %convert_element_type3A_30 {strides = array<i32>} : memref<1024x1024xbf16, #tpu.memory_space<vmem>>, vector<1024x1024xbf16>,
    } else {
    }
    %get3A = arith.constant 0 : index
    %get3A_2 = arith.constant 0 : index
    %get3A_3 = vector.load %arg4[%get3A, %get3A_2] : memref<1024x1024xf32, #tpu.memory_space<vmem>>, vector<1024x1024xf32>
    %convert_element_type3A_4 = arith.truncf %get3A_3 : vector<1024x1024xf32> to vector<1024x1024xbf16>
    %get3A_5 = arith.constant 0 : index
    %get3A_6 = arith.constant 0 : index
    %get3A_7 = vector.load %arg7[%get3A_5, %get3A_6] : memref<1024x1024xbf16, #tpu.memory_space<vmem>>, vector<1024x1024xbf16>
    %dot_general3A = arith.constant dense<0.000000e+00> : vector<1024x1024xf32>
    %dot_general3A_8 = tpu.matmul %get3A_7, %convert_element_type3A_4, %dot_general3A {dimension_numbers = #tpu.dot_dimension_numbers<[1], [0], [0], [1], [0, 0, 1, 1], [], []>, transpose_lhs_hint = false} : vector<1024x1024xbf16>, vector<1024x1024xbf16>, vector<1024x1024xf32> -> vector<1024x1024xf32>
    %get3A_9 = arith.constant 0 : index
    %get3A_10 = arith.constant 0 : index
    %get3A_11 = vector.load %arg5[%get3A_9, %get3A_10] : memref<1x1024xf32, #tpu.memory_space<vmem>>, vector<1x1024xf32>
    %add3A = vector.broadcast %get3A_11 : vector<1x1024xf32> to vector<1024x1024xf32>
    %add3A_12 = arith.addf %dot_general3A_8, %add3A : vector<1024x1024xf32>
    %swap3A = arith.constant 0 : index
    %swap3A_13 = arith.constant 0 : index
    %swap3A_14 = vector.load %arg6[%swap3A, %swap3A_13] : memref<1024x1024xf32, #tpu.memory_space<vmem>>, vector<1024x1024xf32>
    tpu.vector_store %arg6[%swap3A, %swap3A_13], %add3A_12 {strides = array<i32>} : memref<1024x1024xf32, #tpu.memory_space<vmem>>, vector<1024x1024xf32>,
    return
  }
  func.func @transform_0(%arg0: i32) -> (i32, i32) {
    %c0_i32 = arith.constant 0 : i32
    %c0_i32_0 = arith.constant 0 : i32
    %c0_i32_1 = arith.constant 0 : i32
    return %c0_i32, %c0_i32_0 : i32, i32
  }
  func.func @transform_1(%arg0: i32) -> (i32, i32) {
    %c0_i32 = arith.constant 0 : i32
    %c0_i32_0 = arith.constant 0 : i32
    %c0_i32_1 = arith.constant 0 : i32
    return %c0_i32, %c0_i32_0 : i32, i32
  }
  func.func @transform_2(%arg0: i32) -> (i32, i32) {
    %c0_i32 = arith.constant 0 : i32
    %c0_i32_0 = arith.constant 0 : i32
    %c0_i32_1 = arith.constant 0 : i32
    return %c0_i32, %c0_i32_0 : i32, i32
  }
  func.func @transform_3(%arg0: i32) -> (i32, i32) {
    %c0_i32 = arith.constant 0 : i32
    %c0_i32_0 = arith.constant 0 : i32
    return %c0_i32, %arg0 : i32, i32
  }
  func.func @transform_4(%arg0: i32) -> (i32, i32) {
    %c0_i32 = arith.constant 0 : i32
    %c0_i32_0 = arith.constant 0 : i32
    return %c0_i32, %arg0 : i32, i32
  }
  func.func @transform_5(%arg0: i32) -> (i32, i32) {
    %c0_i32 = arith.constant 0 : i32
    %c0_i32_0 = arith.constant 0 : i32
    return %c0_i32, %arg0 : i32, i32
  }
}

</mosaic_0001>

<sc_bundles>
// kernel: kernel.4.cloned.1.call-start
scs
__scs_entry_jumppad:
0x0: {  	(pc) =	sbr.rel $0x88, $3  }
0x1: {  	(tag) =	ssettag $0x0;
	lr =	simm.s32 $0x1  }
0x2: {  	[smem:$0x3F9B] =	sst lr;
	_ =	strace $0xD0000000  }
0x3: {  	_ = 	snop  }
0x4: {  	_ = 	snop  }
0x5: {  	_ = 	snop  }
0x6: {  	_ = 	snop  }
0x7: {  	_ = 	snop  }
__scs_overlays_trampoline_lowered:
0x8: {  	[smem:$0x3FAA] =	sst s0  }
0x9: {  	[smem:$0x3FAB] =	sst s1  }
0xa: {  	[smem:$0x3FAC] =	sst s2  }
0xb: {  	[smem:$0x3FAD] =	sst s3  }
0xc: {  	[smem:$0x3FAE] =	sst s4  }
0xd: {  	[smem:$0x3FAF] =	sst s5  }
0xe: {  	[smem:$0x3FB0] =	sst s6  }
0xf: {  	[smem:$0x3FB1] =	sst s7  }
0x10: {  	[smem:$0x3FB2] =	sst s8  }
0x11: {  	[smem:$0x3FB3] =	sst s9;
	s0 =	simm.s32 @!p0 $0x0  }
0x12: {  	s1 =	sld [smem:$0x3F99];
	s0 =	simm.s32 @p0 $0x1  }
0x13: {  	[smem:$0x3FB4] =	sst s0;
	s0 =	simm.s32 @!p1 $0x0  }
0x14: {  	s2 =	sld [smem:$0x3F98];
	s0 =	simm.s32 @p1 $0x1  }
0x15: {  	[smem:$0x3FB5] =	sst s0;
	s0 =	simm.s32 @!p2 $0x0  }
0x16: {  	s3 =	sld [smem:$0x3FDB];
	s0 =	simm.s32 @p2 $0x1  }
0x17: {  	s4 =	simm.s32 $0x1BF5;
	[smem:$0x3FB7] =	sst s0  }
0x18: {  	s0 =	sld [smem:$0x3F9A];
	_ =	swait.ge [sflag:s4], $0x0  }
0x19: {  	s7 =	sld [smem:$0x3F9B]  }
0x1a: {  	s8 =	sadd.s32 $0xFFFFE003, lr  }
0x1b: {  	s9 =	sadd.s32 $0xFFFFFEF7, lr;
	s5 =	simm.s32 $0xFFFFFFFF;
	p2 =	slt.u32 s8, $0xFFFFF086  }
0x1c: {  	p1 =	slt.u32 s9, $0xF7A;
	s5 =	simm.s32 @!p2 $0x0  }
0x1d: {  	s5 =	simm.s32 @p1 $0x1;
	p0 =	seq.s32 s7, s2  }
0x1e: {  	s7 =	smul.u32 @!p0 $0xF7A, s2;
	p2 =	seq.s32 @!p0 s5, $0x0  }
0x1f: {  	s9 =	smul.u32 $0xF7A, s1;
	s8 =	simm.s32 @!p0 $0x1BF5;
	p2 =	por !p2, p0  }
0x20: {  	[sflag:s8] =	ssyncset.s32 @!p0 $0xFFFFF086;
	s6 =	sadd.s32 @!p0 s3, s7;
	s7 =	simm.s32 @!p0 $0x108  }
0x21: {  	s3 =	sadd.s32 s3, s9;
	s6 =	sadd.s32 @!p0 $0x88, s6;
	s7 =	simm.s32 @p2 $0x1082  }
0x22: {  	[simem:s7], [sflag:s8] =	dma.local @!p0 [hbm:s6], $0xF7A  }
0x23: {  	s9 =	sor.u32 $0xD0000000, s2;
	s6 =	simm.s32 $0x108;
	_ =	swait.ge @!p0 [sflag:s8], $0x0  }
0x24: {  	s3 =	sadd.s32 $0x88, s3;
	s6 =	simm.s32 @!p1 $0x1082;
	[sflag:s4] =	ssyncset.s32 $0xFFFFF086  }
0x25: {  	[simem:s6], [sflag:s4] =	dma.local [hbm:s3], $0xF7A  }
0x26: {  	[smem:$0x3F9B] =	sst s1;
	(tag) =	ssettag s2;
	_ =	strace s9  }
0x27: {  	s1 =	sld [smem:$0x3FAB]  }
0x28: {  	s2 =	sld [smem:$0x3FAC]  }
0x29: {  	s4 =	sld [smem:$0x3FAE]  }
0x2a: {  	p0 =	seq.s32 s5, $0x0;
	s5 =	sld [smem:$0x3FAF]  }
0x2b: {  	s6 =	sld [smem:$0x3FB0]  }
0x2c: {  	s7 =	sld [smem:$0x3FB1]  }
0x2d: {  	s3 =	simm.s32 $0x108;
	s8 =	sld [smem:$0x3FB2]  }
0x2e: {  	s3 =	simm.s32 @!p0 $0x1082;
	s9 =	sld [smem:$0x3FB3]  }
0x2f: {  	lr =	sadd.s32 s0, s3;
	s0 =	sld [smem:$0x3FAA]  }
0x30: {  	s3 =	sld [smem:$0x3FAD]  }
0x31: {  	[smem:$0x3FB6] =	sst s10  }
0x32: {  	s10 =	sld [smem:$0x3FB4];
	_ =	sdelay $0x3  }
0x33: {  	p0 =	seq.s32 s10, $0x1;
	s10 =	sld [smem:$0x3FB6];
	_ =	sdelay $0x3  }
0x34: {  	[smem:$0x3FB6] =	sst s10  }
0x35: {  	s10 =	sld [smem:$0x3FB5];
	_ =	sdelay $0x3  }
0x36: {  	p1 =	seq.s32 s10, $0x1;
	s10 =	sld [smem:$0x3FB6];
	_ =	sdelay $0x3  }
0x37: {  	[smem:$0x3FB6] =	sst s10  }
0x38: {  	s10 =	sld [smem:$0x3FB7]  }
0x39: {  	_ = 	snop;
	(pc) =	sbr.ind lr, $3  }
0x3a: {  	_ = 	snop  }
0x3b: {  	_ = 	snop  }
0x3c: {  	p2 =	seq.s32 s10, $0x1;
	s10 =	sld [smem:$0x3FB6]  }
0x3d: {  	_ =	shalt  }
0x3e: {  	_ =	shalt  }
0x3f: {  	_ =	shalt  }
0x40: {  	_ =	shalt  }
0x41: {  	_ =	shalt  }
0x42: {  	_ =	shalt  }
0x43: {  	_ =	shalt  }
0x44: {  	_ =	shalt  }
0x45: {  	_ =	shalt  }
0x46: {  	_ =	shalt  }
0x47: {  	_ =	shalt  }
0x48: {  	_ =	shalt  }
0x49: {  	_ =	shalt  }
0x4a: {  	_ =	shalt  }
0x4b: {  	_ =	shalt  }
0x4c: {  	_ =	shalt  }
0x4d: {  	_ =	shalt  }
0x4e: {  	_ =	shalt  }
0x4f: {  	_ =	shalt  }
0x50: {  	_ =	shalt  }
0x51: {  	_ =	shalt  }
0x52: {  	_ =	shalt  }
0x53: {  	_ =	shalt  }
0x54: {  	_ =	shalt  }
0x55: {  	_ =	shalt  }
0x56: {  	_ =	shalt  }
0x57: {  	_ =	shalt  }
0x58: {  	_ =	shalt  }
0x59: {  	_ =	shalt  }
0x5a: {  	_ =	shalt  }
0x5b: {  	_ =	shalt  }
0x5c: {  	_ =	shalt  }
0x5d: {  	_ =	shalt  }
0x5e: {  	_ =	shalt  }
0x5f: {  	_ =	shalt  }
0x60: {  	_ =	shalt  }
0x61: {  	_ =	shalt  }
0x62: {  	_ =	shalt  }
0x63: {  	_ =	shalt  }
0x64: {  	_ =	shalt  }
0x65: {  	_ =	shalt  }
0x66: {  	_ =	shalt  }
0x67: {  	_ =	shalt  }
0x68: {  	_ =	shalt  }
0x69: {  	_ =	shalt  }
0x6a: {  	_ =	shalt  }
0x6b: {  	_ =	shalt  }
0x6c: {  	_ =	shalt  }
0x6d: {  	_ =	shalt  }
0x6e: {  	_ =	shalt  }
0x6f: {  	_ =	shalt  }
0x70: {  	_ =	shalt  }
0x71: {  	_ =	shalt  }
0x72: {  	_ =	shalt  }
0x73: {  	_ =	shalt  }
0x74: {  	_ =	shalt  }
0x75: {  	_ =	shalt  }
0x76: {  	_ =	shalt  }
0x77: {  	_ =	shalt  }
0x78: {  	_ =	shalt  }
0x79: {  	_ =	shalt  }
0x7a: {  	_ =	shalt  }
0x7b: {  	_ =	shalt  }
0x7c: {  	_ =	shalt  }
0x7d: {  	_ =	shalt  }
0x7e: {  	_ =	shalt  }
0x7f: {  	_ =	shalt  }
0x80: {  	_ =	shalt  }
0x81: {  	_ =	shalt  }
0x82: {  	_ =	shalt  }
0x83: {  	_ =	shalt  }
0x84: {  	_ =	shalt  }
0x85: {  	_ =	shalt  }
0x86: {  	_ =	shalt  }
0x87: {  	_ =	shalt  }
.Lfunc_end0:
.L_simem_size_0:
called_computation_lowered:
.L_overlay_start_0:
0x88: {  	s2 =	sld [smem:$0x3FD9]  }
0x89: {  	s3 =	sld [smem:$0x3FFE];
	_ =	sdelay $0x1  }
0x8a: {  	s1 =	srdreg.scid  }
0x8b: {  	s0 =	sand.u32 $0x1, s1  }
0x8c: {  	s17 =	sshll.u32 s0, $0xA;
	s2 =	sadd.s32 s3, s2  }
0x8d: {  	s2 =	sadd.s32 s2, s17  }
0x8e: {  	[smem:$0x3FC2] =	sst s2  }
0x8f: {  	_ = 	snop  }
0x90: {  	s2 =	sld [smem:$0x3FD0];
	(tm) =	ssettm $0x1  }
0x91: {  	s18 =	sld [smem:$0x3FFB];
	_ =	sdelay $0x3  }
0x92: {  	_ =	strace s18  }
0x93: {  	s3 =	sld [smem:$0x3FFC];
	_ =	sdelay $0x3  }
0x94: {  	_ =	strace s3  }
0x95: {  	s3 =	sld [smem:$0x3FFD];
	_ =	sdelay $0x3  }
0x96: {  	_ =	strace s3  }
0x97: {  	_ =	strace $0x8FFFFFFF  }
0x98: {  	s19 =	sld [smem:$0x3FDB];
	_ =	sdelay $0x1  }
0x99: {  	s4 =	simm.s32 $_scs_section_size  }
0x9a: {  	s5 =	simm.s32 $_size__tile_overlayer_lowered;
	s6 =	simm.s32 $_tile_overlayer_lowered  }
0x9b: {  	s22 =	simm.s32 $0x1BFF;
	s21 =	sshll.u32 s6, $0x1;
	s3 =	sadd.s32 s4, s19  }
0x9c: {  	s7 =	simm.s32 $0x0;
	s20 =	sshll.u32 s5, $0x1;
	s5 =	sadd.s32 s21, s3  }
0x9d: {  	[timem:s7], [sflag:s22] =	dma.local [hbm:s5], s20  }
0x9e: {  	_ =	swait.ge [sflag:s22], s20  }
0x9f: {  	s4 =	ssub.s32 $0x0, s20;
	[sflag:s22] =	ssyncset.done $0x0  }
0xa0: {  	[sflag:s22] =	ssyncadd.s32 s4;
	_ =	sdelay $0x1  }
0xa1: {  	s23 =	simm.s32 $0x1B8B  }
0xa2: {  	_ =	swait.ge [sflag:s23], $0x1  }
0xa3: {  	[sflag:s23] =	ssyncset.done $0x0  }
0xa4: {  	s25 =	simm.s32 $0x1B8E;
	s24 =	sld [smem:$0x3FFE];
	[sflag:s23] =	ssyncadd.s32 $0xFFFFFFFF  }
0xa5: {  	s26 =	simm.s32 $execute0_lowered;
	[smem:$0x3FD2] =	sst s25  }
0xa6: {  	s5 =	sshll.u32 s26, $0x1;
	_ =	strace $0x80000046;
	[dreg:$0x1] =	wrdreg $0xFFFFFFFF  }
0xa7: {  	s28 =	simm.s32 $_size_execute0_lowered;
	s3 =	sadd.s32 s3, s5;
	[dreg:$0x0] =	wrdreg $0x0  }
0xa8: {  	s5 =	sshll.u32 s28, $0x1;
	[dreg:$0x2] =	wrdreg s3  }
0xa9: {  	[dreg:$0x3] =	wrdreg s5  }
0xaa: {  	[dreg:$0x4] =	wrdreg $0xC0  }
0xab: {  	_ =	task [dreg:s7], $0x5FFFF  }
0xac: {  	[dreg:$0x1] =	wrdreg $0xFFFFFFFF  }
0xad: {  	[dreg:$0x0] =	wrdreg $0x60  }
0xae: {  	[dreg:$0x2] =	wrdreg s24  }
0xaf: {  	[dreg:$0x3] =	wrdreg s2  }
0xb0: {  	[dreg:$0x4] =	wrdreg $0x9  }
0xb1: {  	_ =	task.clear_ibuf [dreg:s7], $0x5FFFF;
	_ =	strace $0x90000046  }
0xb2: {  	s29 =	simm.s32 $0x9;
	_ =	strace $0x80000048  }
0xb3: {  	_ =	swait.ge [sflag:s29], $0x1  }
0xb4: {  	[sflag:s29] =	ssyncadd.s32 $0xFFFFFFFF  }
0xb5: {  	_ =	strace $0x90000048  }
0xb6: {  	_ =	sfence  }
0xb7: {  	s30 =	sld [smem:$0x0];
	_ =	sdelay $0x2  }
0xb8: {  	s31 =	sshll.u32 s1, $0xD;
	s1 =	sshrl.u32 s1, $0x2  }
0xb9: {  	s3 =	sand.u32 $0x4000, s31;
	s1 =	sadd.s32 s1, s30  }
0xba: {  	s0 =	sor.u32 s3, s0;
	s1 =	sshll.u32 s1, $0x11  }
0xbb: {  	s0 =	sor.u32 s1, s0  }
0xbc: {  	s0 =	sadd.s32 $0x8F2B, s0  }
0xbd: {  	[sflag:s0] =	ssyncadd.remote.s32 $0x1  }
0xbe: {  	_ =	sfence.sel $0xFFFF  }
0xbf: {  	[dreg:$0x0] =	wrdreg $0xFFFFFFFF;
	(pc) =	sbr.abs _section_cstart, $3  }
0xc0: {  	[dreg:$0x1] =	wrdreg $0xFFFFFFFF  }
0xc1: {  	_ =	task.clear_ibuf [dreg:s7], $0x2FFFF;
	_ =	strace $0x9FFFFFFF  }
0xc2: {  	(tm) =	ssettm $0x7FFFFFFF  }
0xc3: {  	_ =	shalt  }
tec
execute0_lowered:
.L_overlay_start_1:
0x0: {  	(tag) =	ssettag $0x1  }
0x1: {  	s1 =	srdreg.scid;
	s0 =	stileid.u32  }
0x2: {  	s16 =	sand.u32 $0x1, s1;
	s30 =	sshll.u32 s0, $0x1  }
0x3: {  	s5 =	rddreg [dreg:$0x0];
	s17 =	sor.u32 s16, s30  }
0x4: {  	s18 =	rddreg [dreg:$0x1];
	s3 =	smul.u32 $0x50, s17  }
0x5: {  	s2 =	simm.s32 $0x0;
	s1 =	rddreg [dreg:$0x2]  }
0x6: {  	[smem:$0x7FF] =	sst s2;
	s3 =	sadd.s32 s3, s5  }
0x7: {  	_ =	strace $0x80000047;
	s4 =	sadd.s32 $0xC00, s3;
	s3 =	simm.s32 $0x2  }
0x8: {  	[tilespmem:s2], [sflag:$0x2] =	stream.linear.gather [hbm4b:s4+s2], $0x280, $0x38;
	[tilespmem:$0x5280] =	vst v63  }
0x9: {  	_ =	swait.ge [sflag:s3], $0x280  }
0xa: {  	s6 =	simm.s32 $0x80;
	[sflag:s3] =	ssyncset.done $0x0  }
0xb: {  	s7 =	simm.s32 $0x280;
	s5 =	sadd.s32 $0x1600, s5;
	[sflag:s3] =	ssyncadd.s32 $0xFFFFFD80  }
0xc: {  	[tilespmem:s7], [sflag:$0x1] =	stream.indirect.gather [hbm4b:s5+s6], $0x20, s2, s6, $0xb8;
	[tilespmem:$0x5280] =	vst v63  }
0xd: {  	s8 =	simm.s32 $0x1280  }
0xe: {  	[tilespmem:s8], [sflag:$0x1] =	stream.indirect.gather [hbm4b:s5+s6], $0x20, s6, s6, $0xb8;
	[tilespmem:$0x5280] =	vst v63  }
0xf: {  	s9 =	simm.s32 $0x100;
	s10 =	simm.s32 $0x2280  }
0x10: {  	[tilespmem:s10], [sflag:$0x1] =	stream.indirect.gather [hbm4b:s5+s6], $0x20, s9, s6, $0xb8;
	[tilespmem:$0x5280] =	vst v63  }
0x11: {  	s11 =	simm.s32 $0x180;
	s12 =	simm.s32 $0x3280  }
0x12: {  	[tilespmem:s12], [sflag:$0x1] =	stream.indirect.gather [hbm4b:s5+s6], $0x20, s11, s6, $0xb8;
	[tilespmem:$0x5280] =	vst v63  }
0x13: {  	s13 =	simm.s32 $0x200;
	s14 =	simm.s32 $0x4280;
	s15 =	simm.s32 $0x1  }
0x14: {  	[tilespmem:s14], [sflag:$0x1] =	stream.indirect.gather [hbm4b:s5+s6], $0x20, s13, s6, $0xb8;
	[tilespmem:$0x5280] =	vst v63  }
0x15: {  	_ =	swait.ge [sflag:s15], $0x1000  }
0x16: {  	[sflag:s15] =	ssyncset.done $0x0  }
0x17: {  	[sflag:s15] =	ssyncadd.s32 $0xFFFFF000  }
0x18: {  	_ =	swait.ge [sflag:s15], $0x1000  }
0x19: {  	[sflag:s15] =	ssyncset.done $0x0  }
0x1a: {  	[sflag:s15] =	ssyncadd.s32 $0xFFFFF000  }
0x1b: {  	_ =	swait.ge [sflag:s15], $0x1000  }
0x1c: {  	[sflag:s15] =	ssyncset.done $0x0  }
0x1d: {  	s16 =	ssub.s32 $0x2, s16;
	[sflag:s15] =	ssyncadd.s32 $0xFFFFF000  }
0x1e: {  	s19 =	sshrl.u32 s16, $0x1;
	_ =	swait.ge [sflag:s15], $0x1000  }
0x1f: {  	s19 =	ssub.s32 s16, s19;
	[sflag:s15] =	ssyncset.done $0x0  }
0x20: {  	s31 =	smax.u32 s19, $0x1;
	[sflag:s15] =	ssyncadd.s32 $0xFFFFF000  }
0x21: {  	s17 =	smul.u32 $0xA00, s17;
	p0 =	sne.s32 s31, $0x1;
	_ =	swait.ge [sflag:s15], $0x1000  }
.Ltmp0:
0x22: {  	[sflag:s15] =	ssyncset.done $0x0;
	(pc) =	sbr.rel @!p0 .LBB2_2-.Ltmp0, $4  }
0x23: {  	s16 =	sadd.s32 s18, s17;
	[sflag:s15] =	ssyncadd.s32 $0xFFFFF000  }
0x24: {  	[hbm4b:s16+s2] =	stream.linear.scatter [tilespmem:s7], [sflag:$0x2], $0x5000, $0x38;
	[tilespmem:$0x5280] =	vst v63  }
0x25: {  	_ =	swait.ge [sflag:s3], $0x5000  }
0x26: {  	s17 =	sadd.s32 $0xFFFFFFFF, s31;
	[sflag:s3] =	ssyncset.done $0x0  }
.LBB2_1:
0x27: {  	p0 =	sne.s32 s17, $0x1;
	s17 =	sadd.s32 $0xFFFFFFFF, s17;
	[sflag:s3] =	ssyncadd.s32 $0xFFFFB000  }
0x28: {  	[tilespmem:s2], [sflag:$0x2] =	stream.linear.gather [hbm4b:s4+s2], $0x280, $0x38;
	[tilespmem:$0x5280] =	vst v63  }
0x29: {  	_ =	swait.ge [sflag:s3], $0x280  }
0x2a: {  	[sflag:s3] =	ssyncset.done $0x0  }
0x2b: {  	[sflag:s3] =	ssyncadd.s32 $0xFFFFFD80  }
0x2c: {  	[tilespmem:s7], [sflag:$0x1] =	stream.indirect.gather [hbm4b:s5+s6], $0x20, s2, s6, $0xb8;
	[tilespmem:$0x5280] =	vst v63  }
0x2d: {  	_ = 	snop  }
0x2e: {  	[tilespmem:s8], [sflag:$0x1] =	stream.indirect.gather [hbm4b:s5+s6], $0x20, s6, s6, $0xb8;
	[tilespmem:$0x5280] =	vst v63  }
0x2f: {  	_ = 	snop  }
0x30: {  	[tilespmem:s10], [sflag:$0x1] =	stream.indirect.gather [hbm4b:s5+s6], $0x20, s9, s6, $0xb8;
	[tilespmem:$0x5280] =	vst v63  }
0x31: {  	_ = 	snop  }
0x32: {  	[tilespmem:s12], [sflag:$0x1] =	stream.indirect.gather [hbm4b:s5+s6], $0x20, s11, s6, $0xb8;
	[tilespmem:$0x5280] =	vst v63  }
0x33: {  	_ = 	snop  }
0x34: {  	[tilespmem:s14], [sflag:$0x1] =	stream.indirect.gather [hbm4b:s5+s6], $0x20, s13, s6, $0xb8;
	[tilespmem:$0x5280] =	vst v63  }
0x35: {  	_ =	swait.ge [sflag:s15], $0x1000  }
0x36: {  	[sflag:s15] =	ssyncset.done $0x0  }
0x37: {  	[sflag:s15] =	ssyncadd.s32 $0xFFFFF000  }
0x38: {  	_ =	swait.ge [sflag:s15], $0x1000  }
0x39: {  	[sflag:s15] =	ssyncset.done $0x0  }
0x3a: {  	[sflag:s15] =	ssyncadd.s32 $0xFFFFF000  }
0x3b: {  	_ =	swait.ge [sflag:s15], $0x1000  }
0x3c: {  	[sflag:s15] =	ssyncset.done $0x0  }
0x3d: {  	[sflag:s15] =	ssyncadd.s32 $0xFFFFF000  }
0x3e: {  	_ =	swait.ge [sflag:s15], $0x1000  }
0x3f: {  	[sflag:s15] =	ssyncset.done $0x0  }
0x40: {  	[sflag:s15] =	ssyncadd.s32 $0xFFFFF000  }
0x41: {  	_ =	swait.ge [sflag:s15], $0x1000  }
.Ltmp1:
0x42: {  	[sflag:s15] =	ssyncset.done $0x0;
	(pc) =	sbr.rel @p0 .LBB2_1-.Ltmp1, $4  }
0x43: {  	[sflag:s15] =	ssyncadd.s32 $0xFFFFF000  }
0x44: {  	[hbm4b:s16+s2] =	stream.linear.scatter [tilespmem:s7], [sflag:$0x2], $0x5000, $0x38;
	[tilespmem:$0x5280] =	vst v63  }
0x45: {  	_ =	swait.ge [sflag:s3], $0x5000  }
0x46: {  	[sflag:s3] =	ssyncset.done $0x0  }
.LBB2_2:
0x47: {  	[sflag:s3] =	ssyncadd.s32 $0xFFFFB000  }
0x48: {  	_ =	sfence.sel $0x180000  }
0x49: {  	[bflag:$0x0] =	sbarrier.arrive $0xFFFF  }
0x4a: {  	p0 =	sne.s32 s0, $0x0;
	_ =	strace $0x90000047  }
0x4b: {  	s0 =	sadd.s32 @!p0 $0x100000, s1;
	[bflag:$0x2] =	sbarrier.arrive $0xFFFF  }
0x4c: {  	[sflag:s0] =	ssyncadd.tile.s32 @!p0 $0x1;
	_ =	shalt  }
.Lfunc_end2:
_tile_overlayer_lowered:
.L_overlay_start_2:
0x4d: {  	(tag) =	ssettag $0x2  }
0x4e: {  	s0 =	rddreg [dreg:$0x0];
	s2 =	stileid.u32  }
0x4f: {  	s1 =	rddreg [dreg:$0x1];
	p0 =	sne.s32 s2, $0x0  }
0x50: {  	s3 =	rddreg [dreg:$0x2];
	[bflag:$0x3] =	sbarrier.arrive $0xFFFF;
	s2 =	simm.s32 @!p0 $0x1C02  }
0x51: {  	[timem:s3], [sflag:s2] =	dma.local @!p0 [hbm:s0], s1  }
0x52: {  	s0 =	simm.s32 @!p0 $0x2  }
0x53: {  	_ =	swait.ge @!p0 [sflag:s0], s1  }
0x54: {  	s1 =	ssub.s32 @!p0 $0x0, s1;
	[sflag:s0] =	ssyncset.done @!p0 $0x0  }
0x55: {  	[sflag:s0] =	ssyncadd.s32 @!p0 s1  }
0x56: {  	[bflag:$0x3] =	sbarrier.arrive $0xFFFF  }
0x57: {  	_ =	shalt  }

</sc_bundles>
